<compile_context>
chip_gen: v7x
topology: tpu7x:2x2x1
jax: 0.10.2.dev20260603
libtpu: 0.0.44.dev20260713+nightly
codegen_flags: <defaults>
</compile_context>

<pallas_src>
import functools

import jax
from jax import lax
from jax.experimental import pallas as pl
from jax.experimental.pallas import tpu as pltpu
from jax.experimental.pallas import tpu_sc as plsc

_CHUNK = 200


def _feats_body(f_in, f_out):
    f_out[...] = f_in[...]


def _copy_feats(feats):
    n, d = feats.shape
    grid = 5
    return pl.pallas_call(
        _feats_body,
        grid=(grid,),
        in_specs=[pl.BlockSpec((n // grid, d), lambda i: (i, 0))],
        out_specs=pl.BlockSpec((n // grid, d), lambda i: (i, 0)),
        out_shape=jax.ShapeDtypeStruct(feats.shape, feats.dtype),
        compiler_params=pltpu.CompilerParams(
            dimension_semantics=("arbitrary",),
        ),
    )(feats)


def _make_sc_copy(e, ik, ak, ei_dtype, ea_dtype):
    info = plsc.get_sparse_core_info()
    nc, ns = info.num_cores, info.num_subcores
    nw = nc * ns
    rows_per_w = e // nw
    nchunks = rows_per_w // _CHUNK
    mesh = plsc.VectorSubcoreMesh(core_axis_name="c", subcore_axis_name="s")

    @functools.partial(
        pl.kernel,
        mesh=mesh,
        out_type=[
            jax.ShapeDtypeStruct((e, ik), ei_dtype),
            jax.ShapeDtypeStruct((e, ak), ea_dtype),
        ],
        scratch_types=[
            pltpu.VMEM((_CHUNK, ik), ei_dtype),
            pltpu.VMEM((_CHUNK, ik), ei_dtype),
            pltpu.VMEM((_CHUNK, ak), ea_dtype),
            pltpu.VMEM((_CHUNK, ak), ea_dtype),
            pltpu.SemaphoreType.DMA((2, 2)),
            pltpu.SemaphoreType.DMA((2, 2)),
        ],
    )
    def sc_copy(ei_hbm, ea_hbm, ei_out, ea_out, ei_v0, ei_v1, ea_v0, ea_v1, in_sem, out_sem):
        ei_v = (ei_v0, ei_v1)
        ea_v = (ea_v0, ea_v1)
        wid = lax.axis_index("s") * nc + lax.axis_index("c")
        base = wid * rows_per_w

        def start_in(j, buf):
            o = base + j * _CHUNK
            pltpu.async_copy(ei_hbm.at[pl.ds(o, _CHUNK)], ei_v[buf], in_sem.at[buf, 0])
            pltpu.async_copy(ea_hbm.at[pl.ds(o, _CHUNK)], ea_v[buf], in_sem.at[buf, 1])

        def wait_in(buf):
            pltpu.make_async_copy(ei_hbm.at[pl.ds(base, _CHUNK)], ei_v[buf], in_sem.at[buf, 0]).wait()
            pltpu.make_async_copy(ea_hbm.at[pl.ds(base, _CHUNK)], ea_v[buf], in_sem.at[buf, 1]).wait()

        def start_out(j, buf):
            o = base + j * _CHUNK
            pltpu.async_copy(ei_v[buf], ei_out.at[pl.ds(o, _CHUNK)], out_sem.at[buf, 0])
            pltpu.async_copy(ea_v[buf], ea_out.at[pl.ds(o, _CHUNK)], out_sem.at[buf, 1])

        def wait_out(buf):
            pltpu.make_async_copy(ei_v[buf], ei_out.at[pl.ds(base, _CHUNK)], out_sem.at[buf, 0]).wait()
            pltpu.make_async_copy(ea_v[buf], ea_out.at[pl.ds(base, _CHUNK)], out_sem.at[buf, 1]).wait()

        start_in(0, 0)
        start_in(1, 1)

        @pl.loop(0, nchunks - 2, step=2)
        def _body(g):
            wait_in(0)
            start_out(g, 0)
            wait_in(1)
            start_out(g + 1, 1)
            wait_out(0)
            start_in(g + 2, 0)
            wait_out(1)
            start_in(g + 3, 1)

        wait_in(0)
        start_out(nchunks - 2, 0)
        wait_in(1)
        start_out(nchunks - 1, 1)
        wait_out(0)
        wait_out(1)

    return sc_copy


def kernel(feats, edge_index, edge_attr):
    e, ik = edge_index.shape
    _, ak = edge_attr.shape
    sc_copy = _make_sc_copy(e, ik, ak, edge_index.dtype, edge_attr.dtype)
    ei_o, ea_o = sc_copy(edge_index, edge_attr)
    f_o = _copy_feats(feats)
    return (f_o, ei_o, ea_o)

# --- scband reference (transcript-rebuilt; emitter-appended) ---
"""Pipeline reference for scband-meta-layer-618475290959 (READ-ONLY COPY).

The authoritative reference and input builder live on the scoring server;
editing this copy changes nothing except your own understanding.
"""

import jax, jax.numpy as jnp
import numpy as np


def setup_inputs(seed: int = 0) -> dict:
    key = jax.random.key(seed)
    k1, k2, k3 = jax.random.split(key, 3)
    feats = jax.random.normal(k1, (10000, 128), dtype=jnp.float32)
    edge_index = jax.random.randint(k2, (320000, 2), 0, 10000, dtype=jnp.int32)
    edge_attr = jax.random.normal(k3, (320000, 16), dtype=jnp.float32)
    return {"feats": feats, "edge_index": edge_index, "edge_attr": edge_attr}


def reference(feats, edge_index, edge_attr):
    # MetaLayer with edge_model=None and node_model=None: forward splits
    # edge_index into (r, c) but, since both sub-models are None, neither the
    # gather feats[r]/feats[c] nor any transform runs; inputs pass through.
    r, c = edge_index[:, 0], edge_index[:, 1]
    del r, c
    return (feats, edge_index, edge_attr)

if __name__ == "__main__":
    import jax
    _d = setup_inputs()
    print(jax.jit(kernel)(*tuple(_d.values())))

</pallas_src>

<mosaic_0001>
#map = affine_map<(d0, d1) -> (0, 0)>
module attributes {stable_mosaic.version = 14 : i64} {
  func.func @sc_copy(%arg0: i32, %arg1: i32, %arg2: memref<320000x2xi32, #tpu.memory_space<hbm>>, %arg3: memref<320000x16xf32, #tpu.memory_space<hbm>>, %arg4: memref<320000x2xi32, #tpu.memory_space<hbm>>, %arg5: memref<320000x16xf32, #tpu.memory_space<hbm>>, %arg6: memref<200x2xi32, #tpu.memory_space<vmem>>, %arg7: memref<200x2xi32, #tpu.memory_space<vmem>>, %arg8: memref<200x16xf32, #tpu.memory_space<vmem>>, %arg9: memref<200x16xf32, #tpu.memory_space<vmem>>, %arg10: memref<2x2x!tpu.dma_semaphore, #tpu.memory_space<semaphore_mem>>, %arg11: memref<2x2x!tpu.dma_semaphore, #tpu.memory_space<semaphore_mem>>) attributes {dimension_semantics = [#tpu.dimension_semantics<core_parallel>, #tpu.dimension_semantics<subcore_parallel>], iteration_bounds = array<i64: 2, 16>, scalar_prefetch = 0 : i64, scratch_operands = 6 : i64, tpu.core_type = #tpu.core_type<sc_vector_subcore>, window_params = [{transform_indices = #map}, {transform_indices = #map}, {transform_indices = #map}, {transform_indices = #map}]} {
    %mul3A = arith.constant 2 : i32
    %mul3A_0 = arith.muli %arg1, %mul3A : i32
    %add3A = arith.addi %mul3A_0, %arg0 : i32
    %mul3A_1 = arith.constant 10000 : i32
    %mul3A_2 = arith.muli %add3A, %mul3A_1 : i32
    %add3A_3 = arith.constant 0 : i32
    %add3A_4 = arith.addi %mul3A_2, %add3A_3 : i32
    %dma_start3A = arith.constant 0 : i32
    %dma_start3A_5 = arith.constant 0 : i32
    %dma_start3A_6 = arith.constant 0 : i32
    %dma_start3A_7 = tpu.memref_slice %arg2[%add3A_4, %dma_start3A_6] : memref<320000x2xi32, #tpu.memory_space<hbm>> -> memref<200x2xi32, #tpu.memory_space<hbm>>
    %dma_start3A_8 = tpu.memref_slice %arg10[%dma_start3A, %dma_start3A_5] : memref<2x2x!tpu.dma_semaphore, #tpu.memory_space<semaphore_mem>> -> memref<1x1x!tpu.dma_semaphore, #tpu.memory_space<semaphore_mem>>
    %dma_start3A_9 = tpu.memref_squeeze %dma_start3A_8 : memref<1x1x!tpu.dma_semaphore, #tpu.memory_space<semaphore_mem>> -> memref<!tpu.dma_semaphore, #tpu.memory_space<semaphore_mem>>
    %dma_start3A_10 = arith.constant 0 : i32
    %dma_start3A_11 = tpu.memref_slice %arg2[%add3A_4, %dma_start3A_10] : memref<320000x2xi32, #tpu.memory_space<hbm>> -> memref<200x2xi32, #tpu.memory_space<hbm>>
    tpu.enqueue_dma source(%dma_start3A_11 : memref<200x2xi32, #tpu.memory_space<hbm>>) target(%arg6 : memref<200x2xi32, #tpu.memory_space<vmem>>) target_semaphore(%dma_start3A_9 : memref<!tpu.dma_semaphore, #tpu.memory_space<semaphore_mem>>)
    %dma_start3A_12 = arith.constant 0 : i32
    %dma_start3A_13 = arith.constant 1 : i32
    %dma_start3A_14 = arith.constant 0 : i32
    %dma_start3A_15 = tpu.memref_slice %arg3[%add3A_4, %dma_start3A_14] : memref<320000x16xf32, #tpu.memory_space<hbm>> -> memref<200x16xf32, #tpu.memory_space<hbm>>
    %dma_start3A_16 = tpu.memref_slice %arg10[%dma_start3A_12, %dma_start3A_13] : memref<2x2x!tpu.dma_semaphore, #tpu.memory_space<semaphore_mem>> -> memref<1x1x!tpu.dma_semaphore, #tpu.memory_space<semaphore_mem>>
    %dma_start3A_17 = tpu.memref_squeeze %dma_start3A_16 : memref<1x1x!tpu.dma_semaphore, #tpu.memory_space<semaphore_mem>> -> memref<!tpu.dma_semaphore, #tpu.memory_space<semaphore_mem>>
    %dma_start3A_18 = arith.constant 0 : i32
    %dma_start3A_19 = tpu.memref_slice %arg3[%add3A_4, %dma_start3A_18] : memref<320000x16xf32, #tpu.memory_space<hbm>> -> memref<200x16xf32, #tpu.memory_space<hbm>>
    tpu.enqueue_dma source(%dma_start3A_19 : memref<200x16xf32, #tpu.memory_space<hbm>>) target(%arg8 : memref<200x16xf32, #tpu.memory_space<vmem>>) target_semaphore(%dma_start3A_17 : memref<!tpu.dma_semaphore, #tpu.memory_space<semaphore_mem>>)
    %add3A_20 = arith.constant 200 : i32
    %add3A_21 = arith.addi %mul3A_2, %add3A_20 : i32
    %dma_start3A_22 = arith.constant 1 : i32
    %dma_start3A_23 = arith.constant 0 : i32
    %dma_start3A_24 = arith.constant 0 : i32
    %dma_start3A_25 = tpu.memref_slice %arg2[%add3A_21, %dma_start3A_24] : memref<320000x2xi32, #tpu.memory_space<hbm>> -> memref<200x2xi32, #tpu.memory_space<hbm>>
    %dma_start3A_26 = tpu.memref_slice %arg10[%dma_start3A_22, %dma_start3A_23] : memref<2x2x!tpu.dma_semaphore, #tpu.memory_space<semaphore_mem>> -> memref<1x1x!tpu.dma_semaphore, #tpu.memory_space<semaphore_mem>>
    %dma_start3A_27 = tpu.memref_squeeze %dma_start3A_26 : memref<1x1x!tpu.dma_semaphore, #tpu.memory_space<semaphore_mem>> -> memref<!tpu.dma_semaphore, #tpu.memory_space<semaphore_mem>>
    %dma_start3A_28 = arith.constant 0 : i32
    %dma_start3A_29 = tpu.memref_slice %arg2[%add3A_21, %dma_start3A_28] : memref<320000x2xi32, #tpu.memory_space<hbm>> -> memref<200x2xi32, #tpu.memory_space<hbm>>
    tpu.enqueue_dma source(%dma_start3A_29 : memref<200x2xi32, #tpu.memory_space<hbm>>) target(%arg7 : memref<200x2xi32, #tpu.memory_space<vmem>>) target_semaphore(%dma_start3A_27 : memref<!tpu.dma_semaphore, #tpu.memory_space<semaphore_mem>>)
    %dma_start3A_30 = arith.constant 1 : i32
    %dma_start3A_31 = arith.constant 1 : i32
    %dma_start3A_32 = arith.constant 0 : i32
    %dma_start3A_33 = tpu.memref_slice %arg3[%add3A_21, %dma_start3A_32] : memref<320000x16xf32, #tpu.memory_space<hbm>> -> memref<200x16xf32, #tpu.memory_space<hbm>>
    %dma_start3A_34 = tpu.memref_slice %arg10[%dma_start3A_30, %dma_start3A_31] : memref<2x2x!tpu.dma_semaphore, #tpu.memory_space<semaphore_mem>> -> memref<1x1x!tpu.dma_semaphore, #tpu.memory_space<semaphore_mem>>
    %dma_start3A_35 = tpu.memref_squeeze %dma_start3A_34 : memref<1x1x!tpu.dma_semaphore, #tpu.memory_space<semaphore_mem>> -> memref<!tpu.dma_semaphore, #tpu.memory_space<semaphore_mem>>
    %dma_start3A_36 = arith.constant 0 : i32
    %dma_start3A_37 = tpu.memref_slice %arg3[%add3A_21, %dma_start3A_36] : memref<320000x16xf32, #tpu.memory_space<hbm>> -> memref<200x16xf32, #tpu.memory_space<hbm>>
    tpu.enqueue_dma source(%dma_start3A_37 : memref<200x16xf32, #tpu.memory_space<hbm>>) target(%arg9 : memref<200x16xf32, #tpu.memory_space<vmem>>) target_semaphore(%dma_start3A_35 : memref<!tpu.dma_semaphore, #tpu.memory_space<semaphore_mem>>)
    %scan3A = arith.constant 0 : i32
    %scan3A_38 = arith.constant 24 : i32
    %scan3A_39 = arith.addi %scan3A, %scan3A_38 : i32
    %scan3A_40 = arith.constant 1 : i32
    scf.for %scan3A_141 = %scan3A to %scan3A_39 step %scan3A_40  : i32 {
      %mul3A_142 = arith.constant 2 : i32
      %mul3A_143 = arith.muli %scan3A_141, %mul3A_142 : i32
      %add3A_144 = arith.constant 0 : i32
      %add3A_145 = arith.addi %add3A_144, %mul3A_143 : i32
      %dma_wait3A_146 = arith.constant 0 : i32
      %dma_wait3A_147 = arith.constant 0 : i32
      %dma_wait3A_148 = arith.constant 0 : i32
      %dma_wait3A_149 = tpu.memref_slice %arg2[%mul3A_2, %dma_wait3A_148] : memref<320000x2xi32, #tpu.memory_space<hbm>> -> memref<200x2xi32, #tpu.memory_space<hbm>>
      %dma_wait3A_150 = tpu.memref_slice %arg10[%dma_wait3A_146, %dma_wait3A_147] : memref<2x2x!tpu.dma_semaphore, #tpu.memory_space<semaphore_mem>> -> memref<1x1x!tpu.dma_semaphore, #tpu.memory_space<semaphore_mem>>
      %dma_wait3A_151 = tpu.memref_squeeze %dma_wait3A_150 : memref<1x1x!tpu.dma_semaphore, #tpu.memory_space<semaphore_mem>> -> memref<!tpu.dma_semaphore, #tpu.memory_space<semaphore_mem>>
      %dma_wait3A_152 = arith.constant 0 : i32
      %dma_wait3A_153 = tpu.memref_slice %arg2[%mul3A_2, %dma_wait3A_152] : memref<320000x2xi32, #tpu.memory_space<hbm>> -> memref<200x2xi32, #tpu.memory_space<hbm>>
      tpu.wait_dma2 semaphore(%dma_wait3A_151 : memref<!tpu.dma_semaphore, #tpu.memory_space<semaphore_mem>>) src(%dma_wait3A_153 : memref<200x2xi32, #tpu.memory_space<hbm>>) dst(%arg6 : memref<200x2xi32, #tpu.memory_space<vmem>>)
      %dma_wait3A_154 = arith.constant 0 : i32
      %dma_wait3A_155 = arith.constant 1 : i32
      %dma_wait3A_156 = arith.constant 0 : i32
      %dma_wait3A_157 = tpu.memref_slice %arg3[%mul3A_2, %dma_wait3A_156] : memref<320000x16xf32, #tpu.memory_space<hbm>> -> memref<200x16xf32, #tpu.memory_space<hbm>>
      %dma_wait3A_158 = tpu.memref_slice %arg10[%dma_wait3A_154, %dma_wait3A_155] : memref<2x2x!tpu.dma_semaphore, #tpu.memory_space<semaphore_mem>> -> memref<1x1x!tpu.dma_semaphore, #tpu.memory_space<semaphore_mem>>
      %dma_wait3A_159 = tpu.memref_squeeze %dma_wait3A_158 : memref<1x1x!tpu.dma_semaphore, #tpu.memory_space<semaphore_mem>> -> memref<!tpu.dma_semaphore, #tpu.memory_space<semaphore_mem>>
      %dma_wait3A_160 = arith.constant 0 : i32
      %dma_wait3A_161 = tpu.memref_slice %arg3[%mul3A_2, %dma_wait3A_160] : memref<320000x16xf32, #tpu.memory_space<hbm>> -> memref<200x16xf32, #tpu.memory_space<hbm>>
      tpu.wait_dma2 semaphore(%dma_wait3A_159 : memref<!tpu.dma_semaphore, #tpu.memory_space<semaphore_mem>>) src(%dma_wait3A_161 : memref<200x16xf32, #tpu.memory_space<hbm>>) dst(%arg8 : memref<200x16xf32, #tpu.memory_space<vmem>>)
      %mul3A_162 = arith.constant 200 : i32
      %mul3A_163 = arith.muli %add3A_145, %mul3A_162 : i32
      %add3A_164 = arith.addi %mul3A_2, %mul3A_163 : i32
      %dma_start3A_165 = arith.constant 0 : i32
      %dma_start3A_166 = arith.constant 0 : i32
      %dma_start3A_167 = arith.constant 0 : i32
      %dma_start3A_168 = tpu.memref_slice %arg4[%add3A_164, %dma_start3A_167] : memref<320000x2xi32, #tpu.memory_space<hbm>> -> memref<200x2xi32, #tpu.memory_space<hbm>>
      %dma_start3A_169 = tpu.memref_slice %arg11[%dma_start3A_165, %dma_start3A_166] : memref<2x2x!tpu.dma_semaphore, #tpu.memory_space<semaphore_mem>> -> memref<1x1x!tpu.dma_semaphore, #tpu.memory_space<semaphore_mem>>
      %dma_start3A_170 = tpu.memref_squeeze %dma_start3A_169 : memref<1x1x!tpu.dma_semaphore, #tpu.memory_space<semaphore_mem>> -> memref<!tpu.dma_semaphore, #tpu.memory_space<semaphore_mem>>
      %dma_start3A_171 = arith.constant 0 : i32
      %dma_start3A_172 = tpu.memref_slice %arg4[%add3A_164, %dma_start3A_171] : memref<320000x2xi32, #tpu.memory_space<hbm>> -> memref<200x2xi32, #tpu.memory_space<hbm>>
      tpu.enqueue_dma source(%arg6 : memref<200x2xi32, #tpu.memory_space<vmem>>) target(%dma_start3A_172 : memref<200x2xi32, #tpu.memory_space<hbm>>) target_semaphore(%dma_start3A_170 : memref<!tpu.dma_semaphore, #tpu.memory_space<semaphore_mem>>)
      %dma_start3A_173 = arith.constant 0 : i32
      %dma_start3A_174 = arith.constant 1 : i32
      %dma_start3A_175 = arith.constant 0 : i32
      %dma_start3A_176 = tpu.memref_slice %arg5[%add3A_164, %dma_start3A_175] : memref<320000x16xf32, #tpu.memory_space<hbm>> -> memref<200x16xf32, #tpu.memory_space<hbm>>
      %dma_start3A_177 = tpu.memref_slice %arg11[%dma_start3A_173, %dma_start3A_174] : memref<2x2x!tpu.dma_semaphore, #tpu.memory_space<semaphore_mem>> -> memref<1x1x!tpu.dma_semaphore, #tpu.memory_space<semaphore_mem>>
      %dma_start3A_178 = tpu.memref_squeeze %dma_start3A_177 : memref<1x1x!tpu.dma_semaphore, #tpu.memory_space<semaphore_mem>> -> memref<!tpu.dma_semaphore, #tpu.memory_space<semaphore_mem>>
      %dma_start3A_179 = arith.constant 0 : i32
      %dma_start3A_180 = tpu.memref_slice %arg5[%add3A_164, %dma_start3A_179] : memref<320000x16xf32, #tpu.memory_space<hbm>> -> memref<200x16xf32, #tpu.memory_space<hbm>>
      tpu.enqueue_dma source(%arg8 : memref<200x16xf32, #tpu.memory_space<vmem>>) target(%dma_start3A_180 : memref<200x16xf32, #tpu.memory_space<hbm>>) target_semaphore(%dma_start3A_178 : memref<!tpu.dma_semaphore, #tpu.memory_space<semaphore_mem>>)
      %dma_wait3A_181 = arith.constant 1 : i32
      %dma_wait3A_182 = arith.constant 0 : i32
      %dma_wait3A_183 = arith.constant 0 : i32
      %dma_wait3A_184 = tpu.memref_slice %arg2[%mul3A_2, %dma_wait3A_183] : memref<320000x2xi32, #tpu.memory_space<hbm>> -> memref<200x2xi32, #tpu.memory_space<hbm>>
      %dma_wait3A_185 = tpu.memref_slice %arg10[%dma_wait3A_181, %dma_wait3A_182] : memref<2x2x!tpu.dma_semaphore, #tpu.memory_space<semaphore_mem>> -> memref<1x1x!tpu.dma_semaphore, #tpu.memory_space<semaphore_mem>>
      %dma_wait3A_186 = tpu.memref_squeeze %dma_wait3A_185 : memref<1x1x!tpu.dma_semaphore, #tpu.memory_space<semaphore_mem>> -> memref<!tpu.dma_semaphore, #tpu.memory_space<semaphore_mem>>
      %dma_wait3A_187 = arith.constant 0 : i32
      %dma_wait3A_188 = tpu.memref_slice %arg2[%mul3A_2, %dma_wait3A_187] : memref<320000x2xi32, #tpu.memory_space<hbm>> -> memref<200x2xi32, #tpu.memory_space<hbm>>
      tpu.wait_dma2 semaphore(%dma_wait3A_186 : memref<!tpu.dma_semaphore, #tpu.memory_space<semaphore_mem>>) src(%dma_wait3A_188 : memref<200x2xi32, #tpu.memory_space<hbm>>) dst(%arg7 : memref<200x2xi32, #tpu.memory_space<vmem>>)
      %dma_wait3A_189 = arith.constant 1 : i32
      %dma_wait3A_190 = arith.constant 1 : i32
      %dma_wait3A_191 = arith.constant 0 : i32
      %dma_wait3A_192 = tpu.memref_slice %arg3[%mul3A_2, %dma_wait3A_191] : memref<320000x16xf32, #tpu.memory_space<hbm>> -> memref<200x16xf32, #tpu.memory_space<hbm>>
      %dma_wait3A_193 = tpu.memref_slice %arg10[%dma_wait3A_189, %dma_wait3A_190] : memref<2x2x!tpu.dma_semaphore, #tpu.memory_space<semaphore_mem>> -> memref<1x1x!tpu.dma_semaphore, #tpu.memory_space<semaphore_mem>>
      %dma_wait3A_194 = tpu.memref_squeeze %dma_wait3A_193 : memref<1x1x!tpu.dma_semaphore, #tpu.memory_space<semaphore_mem>> -> memref<!tpu.dma_semaphore, #tpu.memory_space<semaphore_mem>>
      %dma_wait3A_195 = arith.constant 0 : i32
      %dma_wait3A_196 = tpu.memref_slice %arg3[%mul3A_2, %dma_wait3A_195] : memref<320000x16xf32, #tpu.memory_space<hbm>> -> memref<200x16xf32, #tpu.memory_space<hbm>>
      tpu.wait_dma2 semaphore(%dma_wait3A_194 : memref<!tpu.dma_semaphore, #tpu.memory_space<semaphore_mem>>) src(%dma_wait3A_196 : memref<200x16xf32, #tpu.memory_space<hbm>>) dst(%arg9 : memref<200x16xf32, #tpu.memory_space<vmem>>)
      %add3A_197 = arith.constant 1 : i32
      %add3A_198 = arith.addi %add3A_145, %add3A_197 : i32
      %mul3A_199 = arith.constant 200 : i32
      %mul3A_200 = arith.muli %add3A_198, %mul3A_199 : i32
      %add3A_201 = arith.addi %mul3A_2, %mul3A_200 : i32
      %dma_start3A_202 = arith.constant 1 : i32
      %dma_start3A_203 = arith.constant 0 : i32
      %dma_start3A_204 = arith.constant 0 : i32
      %dma_start3A_205 = tpu.memref_slice %arg4[%add3A_201, %dma_start3A_204] : memref<320000x2xi32, #tpu.memory_space<hbm>> -> memref<200x2xi32, #tpu.memory_space<hbm>>
      %dma_start3A_206 = tpu.memref_slice %arg11[%dma_start3A_202, %dma_start3A_203] : memref<2x2x!tpu.dma_semaphore, #tpu.memory_space<semaphore_mem>> -> memref<1x1x!tpu.dma_semaphore, #tpu.memory_space<semaphore_mem>>
      %dma_start3A_207 = tpu.memref_squeeze %dma_start3A_206 : memref<1x1x!tpu.dma_semaphore, #tpu.memory_space<semaphore_mem>> -> memref<!tpu.dma_semaphore, #tpu.memory_space<semaphore_mem>>
      %dma_start3A_208 = arith.constant 0 : i32
      %dma_start3A_209 = tpu.memref_slice %arg4[%add3A_201, %dma_start3A_208] : memref<320000x2xi32, #tpu.memory_space<hbm>> -> memref<200x2xi32, #tpu.memory_space<hbm>>
      tpu.enqueue_dma source(%arg7 : memref<200x2xi32, #tpu.memory_space<vmem>>) target(%dma_start3A_209 : memref<200x2xi32, #tpu.memory_space<hbm>>) target_semaphore(%dma_start3A_207 : memref<!tpu.dma_semaphore, #tpu.memory_space<semaphore_mem>>)
      %dma_start3A_210 = arith.constant 1 : i32
      %dma_start3A_211 = arith.constant 1 : i32
      %dma_start3A_212 = arith.constant 0 : i32
      %dma_start3A_213 = tpu.memref_slice %arg5[%add3A_201, %dma_start3A_212] : memref<320000x16xf32, #tpu.memory_space<hbm>> -> memref<200x16xf32, #tpu.memory_space<hbm>>
      %dma_start3A_214 = tpu.memref_slice %arg11[%dma_start3A_210, %dma_start3A_211] : memref<2x2x!tpu.dma_semaphore, #tpu.memory_space<semaphore_mem>> -> memref<1x1x!tpu.dma_semaphore, #tpu.memory_space<semaphore_mem>>
      %dma_start3A_215 = tpu.memref_squeeze %dma_start3A_214 : memref<1x1x!tpu.dma_semaphore, #tpu.memory_space<semaphore_mem>> -> memref<!tpu.dma_semaphore, #tpu.memory_space<semaphore_mem>>
      %dma_start3A_216 = arith.constant 0 : i32
      %dma_start3A_217 = tpu.memref_slice %arg5[%add3A_201, %dma_start3A_216] : memref<320000x16xf32, #tpu.memory_space<hbm>> -> memref<200x16xf32, #tpu.memory_space<hbm>>
      tpu.enqueue_dma source(%arg9 : memref<200x16xf32, #tpu.memory_space<vmem>>) target(%dma_start3A_217 : memref<200x16xf32, #tpu.memory_space<hbm>>) target_semaphore(%dma_start3A_215 : memref<!tpu.dma_semaphore, #tpu.memory_space<semaphore_mem>>)
      %dma_wait3A_218 = arith.constant 0 : i32
      %dma_wait3A_219 = arith.constant 0 : i32
      %dma_wait3A_220 = arith.constant 0 : i32
      %dma_wait3A_221 = tpu.memref_slice %arg4[%mul3A_2, %dma_wait3A_220] : memref<320000x2xi32, #tpu.memory_space<hbm>> -> memref<200x2xi32, #tpu.memory_space<hbm>>
      %dma_wait3A_222 = tpu.memref_slice %arg11[%dma_wait3A_218, %dma_wait3A_219] : memref<2x2x!tpu.dma_semaphore, #tpu.memory_space<semaphore_mem>> -> memref<1x1x!tpu.dma_semaphore, #tpu.memory_space<semaphore_mem>>
      %dma_wait3A_223 = tpu.memref_squeeze %dma_wait3A_222 : memref<1x1x!tpu.dma_semaphore, #tpu.memory_space<semaphore_mem>> -> memref<!tpu.dma_semaphore, #tpu.memory_space<semaphore_mem>>
      %dma_wait3A_224 = arith.constant 0 : i32
      %dma_wait3A_225 = tpu.memref_slice %arg4[%mul3A_2, %dma_wait3A_224] : memref<320000x2xi32, #tpu.memory_space<hbm>> -> memref<200x2xi32, #tpu.memory_space<hbm>>
      tpu.wait_dma2 semaphore(%dma_wait3A_223 : memref<!tpu.dma_semaphore, #tpu.memory_space<semaphore_mem>>) src(%arg6 : memref<200x2xi32, #tpu.memory_space<vmem>>) dst(%dma_wait3A_225 : memref<200x2xi32, #tpu.memory_space<hbm>>)
      %dma_wait3A_226 = arith.constant 0 : i32
      %dma_wait3A_227 = arith.constant 1 : i32
      %dma_wait3A_228 = arith.constant 0 : i32
      %dma_wait3A_229 = tpu.memref_slice %arg5[%mul3A_2, %dma_wait3A_228] : memref<320000x16xf32, #tpu.memory_space<hbm>> -> memref<200x16xf32, #tpu.memory_space<hbm>>
      %dma_wait3A_230 = tpu.memref_slice %arg11[%dma_wait3A_226, %dma_wait3A_227] : memref<2x2x!tpu.dma_semaphore, #tpu.memory_space<semaphore_mem>> -> memref<1x1x!tpu.dma_semaphore, #tpu.memory_space<semaphore_mem>>
      %dma_wait3A_231 = tpu.memref_squeeze %dma_wait3A_230 : memref<1x1x!tpu.dma_semaphore, #tpu.memory_space<semaphore_mem>> -> memref<!tpu.dma_semaphore, #tpu.memory_space<semaphore_mem>>
      %dma_wait3A_232 = arith.constant 0 : i32
      %dma_wait3A_233 = tpu.memref_slice %arg5[%mul3A_2, %dma_wait3A_232] : memref<320000x16xf32, #tpu.memory_space<hbm>> -> memref<200x16xf32, #tpu.memory_space<hbm>>
      tpu.wait_dma2 semaphore(%dma_wait3A_231 : memref<!tpu.dma_semaphore, #tpu.memory_space<semaphore_mem>>) src(%arg8 : memref<200x16xf32, #tpu.memory_space<vmem>>) dst(%dma_wait3A_233 : memref<200x16xf32, #tpu.memory_space<hbm>>)
      %add3A_234 = arith.constant 2 : i32
      %add3A_235 = arith.addi %add3A_145, %add3A_234 : i32
      %mul3A_236 = arith.constant 200 : i32
      %mul3A_237 = arith.muli %add3A_235, %mul3A_236 : i32
      %add3A_238 = arith.addi %mul3A_2, %mul3A_237 : i32
      %dma_start3A_239 = arith.constant 0 : i32
      %dma_start3A_240 = arith.constant 0 : i32
      %dma_start3A_241 = arith.constant 0 : i32
      %dma_start3A_242 = tpu.memref_slice %arg2[%add3A_238, %dma_start3A_241] : memref<320000x2xi32, #tpu.memory_space<hbm>> -> memref<200x2xi32, #tpu.memory_space<hbm>>
      %dma_start3A_243 = tpu.memref_slice %arg10[%dma_start3A_239, %dma_start3A_240] : memref<2x2x!tpu.dma_semaphore, #tpu.memory_space<semaphore_mem>> -> memref<1x1x!tpu.dma_semaphore, #tpu.memory_space<semaphore_mem>>
      %dma_start3A_244 = tpu.memref_squeeze %dma_start3A_243 : memref<1x1x!tpu.dma_semaphore, #tpu.memory_space<semaphore_mem>> -> memref<!tpu.dma_semaphore, #tpu.memory_space<semaphore_mem>>
      %dma_start3A_245 = arith.constant 0 : i32
      %dma_start3A_246 = tpu.memref_slice %arg2[%add3A_238, %dma_start3A_245] : memref<320000x2xi32, #tpu.memory_space<hbm>> -> memref<200x2xi32, #tpu.memory_space<hbm>>
      tpu.enqueue_dma source(%dma_start3A_246 : memref<200x2xi32, #tpu.memory_space<hbm>>) target(%arg6 : memref<200x2xi32, #tpu.memory_space<vmem>>) target_semaphore(%dma_start3A_244 : memref<!tpu.dma_semaphore, #tpu.memory_space<semaphore_mem>>)
      %dma_start3A_247 = arith.constant 0 : i32
      %dma_start3A_248 = arith.constant 1 : i32
      %dma_start3A_249 = arith.constant 0 : i32
      %dma_start3A_250 = tpu.memref_slice %arg3[%add3A_238, %dma_start3A_249] : memref<320000x16xf32, #tpu.memory_space<hbm>> -> memref<200x16xf32, #tpu.memory_space<hbm>>
      %dma_start3A_251 = tpu.memref_slice %arg10[%dma_start3A_247, %dma_start3A_248] : memref<2x2x!tpu.dma_semaphore, #tpu.memory_space<semaphore_mem>> -> memref<1x1x!tpu.dma_semaphore, #tpu.memory_space<semaphore_mem>>
      %dma_start3A_252 = tpu.memref_squeeze %dma_start3A_251 : memref<1x1x!tpu.dma_semaphore, #tpu.memory_space<semaphore_mem>> -> memref<!tpu.dma_semaphore, #tpu.memory_space<semaphore_mem>>
      %dma_start3A_253 = arith.constant 0 : i32
      %dma_start3A_254 = tpu.memref_slice %arg3[%add3A_238, %dma_start3A_253] : memref<320000x16xf32, #tpu.memory_space<hbm>> -> memref<200x16xf32, #tpu.memory_space<hbm>>
      tpu.enqueue_dma source(%dma_start3A_254 : memref<200x16xf32, #tpu.memory_space<hbm>>) target(%arg8 : memref<200x16xf32, #tpu.memory_space<vmem>>) target_semaphore(%dma_start3A_252 : memref<!tpu.dma_semaphore, #tpu.memory_space<semaphore_mem>>)
      %dma_wait3A_255 = arith.constant 1 : i32
      %dma_wait3A_256 = arith.constant 0 : i32
      %dma_wait3A_257 = arith.constant 0 : i32
      %dma_wait3A_258 = tpu.memref_slice %arg4[%mul3A_2, %dma_wait3A_257] : memref<320000x2xi32, #tpu.memory_space<hbm>> -> memref<200x2xi32, #tpu.memory_space<hbm>>
      %dma_wait3A_259 = tpu.memref_slice %arg11[%dma_wait3A_255, %dma_wait3A_256] : memref<2x2x!tpu.dma_semaphore, #tpu.memory_space<semaphore_mem>> -> memref<1x1x!tpu.dma_semaphore, #tpu.memory_space<semaphore_mem>>
      %dma_wait3A_260 = tpu.memref_squeeze %dma_wait3A_259 : memref<1x1x!tpu.dma_semaphore, #tpu.memory_space<semaphore_mem>> -> memref<!tpu.dma_semaphore, #tpu.memory_space<semaphore_mem>>
      %dma_wait3A_261 = arith.constant 0 : i32
      %dma_wait3A_262 = tpu.memref_slice %arg4[%mul3A_2, %dma_wait3A_261] : memref<320000x2xi32, #tpu.memory_space<hbm>> -> memref<200x2xi32, #tpu.memory_space<hbm>>
      tpu.wait_dma2 semaphore(%dma_wait3A_260 : memref<!tpu.dma_semaphore, #tpu.memory_space<semaphore_mem>>) src(%arg7 : memref<200x2xi32, #tpu.memory_space<vmem>>) dst(%dma_wait3A_262 : memref<200x2xi32, #tpu.memory_space<hbm>>)
      %dma_wait3A_263 = arith.constant 1 : i32
      %dma_wait3A_264 = arith.constant 1 : i32
      %dma_wait3A_265 = arith.constant 0 : i32
      %dma_wait3A_266 = tpu.memref_slice %arg5[%mul3A_2, %dma_wait3A_265] : memref<320000x16xf32, #tpu.memory_space<hbm>> -> memref<200x16xf32, #tpu.memory_space<hbm>>
      %dma_wait3A_267 = tpu.memref_slice %arg11[%dma_wait3A_263, %dma_wait3A_264] : memref<2x2x!tpu.dma_semaphore, #tpu.memory_space<semaphore_mem>> -> memref<1x1x!tpu.dma_semaphore, #tpu.memory_space<semaphore_mem>>
      %dma_wait3A_268 = tpu.memref_squeeze %dma_wait3A_267 : memref<1x1x!tpu.dma_semaphore, #tpu.memory_space<semaphore_mem>> -> memref<!tpu.dma_semaphore, #tpu.memory_space<semaphore_mem>>
      %dma_wait3A_269 = arith.constant 0 : i32
      %dma_wait3A_270 = tpu.memref_slice %arg5[%mul3A_2, %dma_wait3A_269] : memref<320000x16xf32, #tpu.memory_space<hbm>> -> memref<200x16xf32, #tpu.memory_space<hbm>>
      tpu.wait_dma2 semaphore(%dma_wait3A_268 : memref<!tpu.dma_semaphore, #tpu.memory_space<semaphore_mem>>) src(%arg9 : memref<200x16xf32, #tpu.memory_space<vmem>>) dst(%dma_wait3A_270 : memref<200x16xf32, #tpu.memory_space<hbm>>)
      %add3A_271 = arith.constant 3 : i32
      %add3A_272 = arith.addi %add3A_145, %add3A_271 : i32
      %mul3A_273 = arith.constant 200 : i32
      %mul3A_274 = arith.muli %add3A_272, %mul3A_273 : i32
      %add3A_275 = arith.addi %mul3A_2, %mul3A_274 : i32
      %dma_start3A_276 = arith.constant 1 : i32
      %dma_start3A_277 = arith.constant 0 : i32
      %dma_start3A_278 = arith.constant 0 : i32
      %dma_start3A_279 = tpu.memref_slice %arg2[%add3A_275, %dma_start3A_278] : memref<320000x2xi32, #tpu.memory_space<hbm>> -> memref<200x2xi32, #tpu.memory_space<hbm>>
      %dma_start3A_280 = tpu.memref_slice %arg10[%dma_start3A_276, %dma_start3A_277] : memref<2x2x!tpu.dma_semaphore, #tpu.memory_space<semaphore_mem>> -> memref<1x1x!tpu.dma_semaphore, #tpu.memory_space<semaphore_mem>>
      %dma_start3A_281 = tpu.memref_squeeze %dma_start3A_280 : memref<1x1x!tpu.dma_semaphore, #tpu.memory_space<semaphore_mem>> -> memref<!tpu.dma_semaphore, #tpu.memory_space<semaphore_mem>>
      %dma_start3A_282 = arith.constant 0 : i32
      %dma_start3A_283 = tpu.memref_slice %arg2[%add3A_275, %dma_start3A_282] : memref<320000x2xi32, #tpu.memory_space<hbm>> -> memref<200x2xi32, #tpu.memory_space<hbm>>
      tpu.enqueue_dma source(%dma_start3A_283 : memref<200x2xi32, #tpu.memory_space<hbm>>) target(%arg7 : memref<200x2xi32, #tpu.memory_space<vmem>>) target_semaphore(%dma_start3A_281 : memref<!tpu.dma_semaphore, #tpu.memory_space<semaphore_mem>>)
      %dma_start3A_284 = arith.constant 1 : i32
      %dma_start3A_285 = arith.constant 1 : i32
      %dma_start3A_286 = arith.constant 0 : i32
      %dma_start3A_287 = tpu.memref_slice %arg3[%add3A_275, %dma_start3A_286] : memref<320000x16xf32, #tpu.memory_space<hbm>> -> memref<200x16xf32, #tpu.memory_space<hbm>>
      %dma_start3A_288 = tpu.memref_slice %arg10[%dma_start3A_284, %dma_start3A_285] : memref<2x2x!tpu.dma_semaphore, #tpu.memory_space<semaphore_mem>> -> memref<1x1x!tpu.dma_semaphore, #tpu.memory_space<semaphore_mem>>
      %dma_start3A_289 = tpu.memref_squeeze %dma_start3A_288 : memref<1x1x!tpu.dma_semaphore, #tpu.memory_space<semaphore_mem>> -> memref<!tpu.dma_semaphore, #tpu.memory_space<semaphore_mem>>
      %dma_start3A_290 = arith.constant 0 : i32
      %dma_start3A_291 = tpu.memref_slice %arg3[%add3A_275, %dma_start3A_290] : memref<320000x16xf32, #tpu.memory_space<hbm>> -> memref<200x16xf32, #tpu.memory_space<hbm>>
      tpu.enqueue_dma source(%dma_start3A_291 : memref<200x16xf32, #tpu.memory_space<hbm>>) target(%arg9 : memref<200x16xf32, #tpu.memory_space<vmem>>) target_semaphore(%dma_start3A_289 : memref<!tpu.dma_semaphore, #tpu.memory_space<semaphore_mem>>)
    }
    %scan3A_41 = arith.constant 24 : i32
    %dma_wait3A = arith.constant 0 : i32
    %dma_wait3A_42 = arith.constant 0 : i32
    %dma_wait3A_43 = arith.constant 0 : i32
    %dma_wait3A_44 = tpu.memref_slice %arg2[%mul3A_2, %dma_wait3A_43] : memref<320000x2xi32, #tpu.memory_space<hbm>> -> memref<200x2xi32, #tpu.memory_space<hbm>>
    %dma_wait3A_45 = tpu.memref_slice %arg10[%dma_wait3A, %dma_wait3A_42] : memref<2x2x!tpu.dma_semaphore, #tpu.memory_space<semaphore_mem>> -> memref<1x1x!tpu.dma_semaphore, #tpu.memory_space<semaphore_mem>>
    %dma_wait3A_46 = tpu.memref_squeeze %dma_wait3A_45 : memref<1x1x!tpu.dma_semaphore, #tpu.memory_space<semaphore_mem>> -> memref<!tpu.dma_semaphore, #tpu.memory_space<semaphore_mem>>
    %dma_wait3A_47 = arith.constant 0 : i32
    %dma_wait3A_48 = tpu.memref_slice %arg2[%mul3A_2, %dma_wait3A_47] : memref<320000x2xi32, #tpu.memory_space<hbm>> -> memref<200x2xi32, #tpu.memory_space<hbm>>
    tpu.wait_dma2 semaphore(%dma_wait3A_46 : memref<!tpu.dma_semaphore, #tpu.memory_space<semaphore_mem>>) src(%dma_wait3A_48 : memref<200x2xi32, #tpu.memory_space<hbm>>) dst(%arg6 : memref<200x2xi32, #tpu.memory_space<vmem>>)
    %dma_wait3A_49 = arith.constant 0 : i32
    %dma_wait3A_50 = arith.constant 1 : i32
    %dma_wait3A_51 = arith.constant 0 : i32
    %dma_wait3A_52 = tpu.memref_slice %arg3[%mul3A_2, %dma_wait3A_51] : memref<320000x16xf32, #tpu.memory_space<hbm>> -> memref<200x16xf32, #tpu.memory_space<hbm>>
    %dma_wait3A_53 = tpu.memref_slice %arg10[%dma_wait3A_49, %dma_wait3A_50] : memref<2x2x!tpu.dma_semaphore, #tpu.memory_space<semaphore_mem>> -> memref<1x1x!tpu.dma_semaphore, #tpu.memory_space<semaphore_mem>>
    %dma_wait3A_54 = tpu.memref_squeeze %dma_wait3A_53 : memref<1x1x!tpu.dma_semaphore, #tpu.memory_space<semaphore_mem>> -> memref<!tpu.dma_semaphore, #tpu.memory_space<semaphore_mem>>
    %dma_wait3A_55 = arith.constant 0 : i32
    %dma_wait3A_56 = tpu.memref_slice %arg3[%mul3A_2, %dma_wait3A_55] : memref<320000x16xf32, #tpu.memory_space<hbm>> -> memref<200x16xf32, #tpu.memory_space<hbm>>
    tpu.wait_dma2 semaphore(%dma_wait3A_54 : memref<!tpu.dma_semaphore, #tpu.memory_space<semaphore_mem>>) src(%dma_wait3A_56 : memref<200x16xf32, #tpu.memory_space<hbm>>) dst(%arg8 : memref<200x16xf32, #tpu.memory_space<vmem>>)
    %add3A_57 = arith.constant 9600 : i32
    %add3A_58 = arith.addi %mul3A_2, %add3A_57 : i32
    %dma_start3A_59 = arith.constant 0 : i32
    %dma_start3A_60 = arith.constant 0 : i32
    %dma_start3A_61 = arith.constant 0 : i32
    %dma_start3A_62 = tpu.memref_slice %arg4[%add3A_58, %dma_start3A_61] : memref<320000x2xi32, #tpu.memory_space<hbm>> -> memref<200x2xi32, #tpu.memory_space<hbm>>
    %dma_start3A_63 = tpu.memref_slice %arg11[%dma_start3A_59, %dma_start3A_60] : memref<2x2x!tpu.dma_semaphore, #tpu.memory_space<semaphore_mem>> -> memref<1x1x!tpu.dma_semaphore, #tpu.memory_space<semaphore_mem>>
    %dma_start3A_64 = tpu.memref_squeeze %dma_start3A_63 : memref<1x1x!tpu.dma_semaphore, #tpu.memory_space<semaphore_mem>> -> memref<!tpu.dma_semaphore, #tpu.memory_space<semaphore_mem>>
    %dma_start3A_65 = arith.constant 0 : i32
    %dma_start3A_66 = tpu.memref_slice %arg4[%add3A_58, %dma_start3A_65] : memref<320000x2xi32, #tpu.memory_space<hbm>> -> memref<200x2xi32, #tpu.memory_space<hbm>>
    tpu.enqueue_dma source(%arg6 : memref<200x2xi32, #tpu.memory_space<vmem>>) target(%dma_start3A_66 : memref<200x2xi32, #tpu.memory_space<hbm>>) target_semaphore(%dma_start3A_64 : memref<!tpu.dma_semaphore, #tpu.memory_space<semaphore_mem>>)
    %dma_start3A_67 = arith.constant 0 : i32
    %dma_start3A_68 = arith.constant 1 : i32
    %dma_start3A_69 = arith.constant 0 : i32
    %dma_start3A_70 = tpu.memref_slice %arg5[%add3A_58, %dma_start3A_69] : memref<320000x16xf32, #tpu.memory_space<hbm>> -> memref<200x16xf32, #tpu.memory_space<hbm>>
    %dma_start3A_71 = tpu.memref_slice %arg11[%dma_start3A_67, %dma_start3A_68] : memref<2x2x!tpu.dma_semaphore, #tpu.memory_space<semaphore_mem>> -> memref<1x1x!tpu.dma_semaphore, #tpu.memory_space<semaphore_mem>>
    %dma_start3A_72 = tpu.memref_squeeze %dma_start3A_71 : memref<1x1x!tpu.dma_semaphore, #tpu.memory_space<semaphore_mem>> -> memref<!tpu.dma_semaphore, #tpu.memory_space<semaphore_mem>>
    %dma_start3A_73 = arith.constant 0 : i32
    %dma_start3A_74 = tpu.memref_slice %arg5[%add3A_58, %dma_start3A_73] : memref<320000x16xf32, #tpu.memory_space<hbm>> -> memref<200x16xf32, #tpu.memory_space<hbm>>
    tpu.enqueue_dma source(%arg8 : memref<200x16xf32, #tpu.memory_space<vmem>>) target(%dma_start3A_74 : memref<200x16xf32, #tpu.memory_space<hbm>>) target_semaphore(%dma_start3A_72 : memref<!tpu.dma_semaphore, #tpu.memory_space<semaphore_mem>>)
    %dma_wait3A_75 = arith.constant 1 : i32
    %dma_wait3A_76 = arith.constant 0 : i32
    %dma_wait3A_77 = arith.constant 0 : i32
    %dma_wait3A_78 = tpu.memref_slice %arg2[%mul3A_2, %dma_wait3A_77] : memref<320000x2xi32, #tpu.memory_space<hbm>> -> memref<200x2xi32, #tpu.memory_space<hbm>>
    %dma_wait3A_79 = tpu.memref_slice %arg10[%dma_wait3A_75, %dma_wait3A_76] : memref<2x2x!tpu.dma_semaphore, #tpu.memory_space<semaphore_mem>> -> memref<1x1x!tpu.dma_semaphore, #tpu.memory_space<semaphore_mem>>
    %dma_wait3A_80 = tpu.memref_squeeze %dma_wait3A_79 : memref<1x1x!tpu.dma_semaphore, #tpu.memory_space<semaphore_mem>> -> memref<!tpu.dma_semaphore, #tpu.memory_space<semaphore_mem>>
    %dma_wait3A_81 = arith.constant 0 : i32
    %dma_wait3A_82 = tpu.memref_slice %arg2[%mul3A_2, %dma_wait3A_81] : memref<320000x2xi32, #tpu.memory_space<hbm>> -> memref<200x2xi32, #tpu.memory_space<hbm>>
    tpu.wait_dma2 semaphore(%dma_wait3A_80 : memref<!tpu.dma_semaphore, #tpu.memory_space<semaphore_mem>>) src(%dma_wait3A_82 : memref<200x2xi32, #tpu.memory_space<hbm>>) dst(%arg7 : memref<200x2xi32, #tpu.memory_space<vmem>>)
    %dma_wait3A_83 = arith.constant 1 : i32
    %dma_wait3A_84 = arith.constant 1 : i32
    %dma_wait3A_85 = arith.constant 0 : i32
    %dma_wait3A_86 = tpu.memref_slice %arg3[%mul3A_2, %dma_wait3A_85] : memref<320000x16xf32, #tpu.memory_space<hbm>> -> memref<200x16xf32, #tpu.memory_space<hbm>>
    %dma_wait3A_87 = tpu.memref_slice %arg10[%dma_wait3A_83, %dma_wait3A_84] : memref<2x2x!tpu.dma_semaphore, #tpu.memory_space<semaphore_mem>> -> memref<1x1x!tpu.dma_semaphore, #tpu.memory_space<semaphore_mem>>
    %dma_wait3A_88 = tpu.memref_squeeze %dma_wait3A_87 : memref<1x1x!tpu.dma_semaphore, #tpu.memory_space<semaphore_mem>> -> memref<!tpu.dma_semaphore, #tpu.memory_space<semaphore_mem>>
    %dma_wait3A_89 = arith.constant 0 : i32
    %dma_wait3A_90 = tpu.memref_slice %arg3[%mul3A_2, %dma_wait3A_89] : memref<320000x16xf32, #tpu.memory_space<hbm>> -> memref<200x16xf32, #tpu.memory_space<hbm>>
    tpu.wait_dma2 semaphore(%dma_wait3A_88 : memref<!tpu.dma_semaphore, #tpu.memory_space<semaphore_mem>>) src(%dma_wait3A_90 : memref<200x16xf32, #tpu.memory_space<hbm>>) dst(%arg9 : memref<200x16xf32, #tpu.memory_space<vmem>>)
    %add3A_91 = arith.constant 9800 : i32
    %add3A_92 = arith.addi %mul3A_2, %add3A_91 : i32
    %dma_start3A_93 = arith.constant 1 : i32
    %dma_start3A_94 = arith.constant 0 : i32
    %dma_start3A_95 = arith.constant 0 : i32
    %dma_start3A_96 = tpu.memref_slice %arg4[%add3A_92, %dma_start3A_95] : memref<320000x2xi32, #tpu.memory_space<hbm>> -> memref<200x2xi32, #tpu.memory_space<hbm>>
    %dma_start3A_97 = tpu.memref_slice %arg11[%dma_start3A_93, %dma_start3A_94] : memref<2x2x!tpu.dma_semaphore, #tpu.memory_space<semaphore_mem>> -> memref<1x1x!tpu.dma_semaphore, #tpu.memory_space<semaphore_mem>>
    %dma_start3A_98 = tpu.memref_squeeze %dma_start3A_97 : memref<1x1x!tpu.dma_semaphore, #tpu.memory_space<semaphore_mem>> -> memref<!tpu.dma_semaphore, #tpu.memory_space<semaphore_mem>>
    %dma_start3A_99 = arith.constant 0 : i32
    %dma_start3A_100 = tpu.memref_slice %arg4[%add3A_92, %dma_start3A_99] : memref<320000x2xi32, #tpu.memory_space<hbm>> -> memref<200x2xi32, #tpu.memory_space<hbm>>
    tpu.enqueue_dma source(%arg7 : memref<200x2xi32, #tpu.memory_space<vmem>>) target(%dma_start3A_100 : memref<200x2xi32, #tpu.memory_space<hbm>>) target_semaphore(%dma_start3A_98 : memref<!tpu.dma_semaphore, #tpu.memory_space<semaphore_mem>>)
    %dma_start3A_101 = arith.constant 1 : i32
    %dma_start3A_102 = arith.constant 1 : i32
    %dma_start3A_103 = arith.constant 0 : i32
    %dma_start3A_104 = tpu.memref_slice %arg5[%add3A_92, %dma_start3A_103] : memref<320000x16xf32, #tpu.memory_space<hbm>> -> memref<200x16xf32, #tpu.memory_space<hbm>>
    %dma_start3A_105 = tpu.memref_slice %arg11[%dma_start3A_101, %dma_start3A_102] : memref<2x2x!tpu.dma_semaphore, #tpu.memory_space<semaphore_mem>> -> memref<1x1x!tpu.dma_semaphore, #tpu.memory_space<semaphore_mem>>
    %dma_start3A_106 = tpu.memref_squeeze %dma_start3A_105 : memref<1x1x!tpu.dma_semaphore, #tpu.memory_space<semaphore_mem>> -> memref<!tpu.dma_semaphore, #tpu.memory_space<semaphore_mem>>
    %dma_start3A_107 = arith.constant 0 : i32
    %dma_start3A_108 = tpu.memref_slice %arg5[%add3A_92, %dma_start3A_107] : memref<320000x16xf32, #tpu.memory_space<hbm>> -> memref<200x16xf32, #tpu.memory_space<hbm>>
    tpu.enqueue_dma source(%arg9 : memref<200x16xf32, #tpu.memory_space<vmem>>) target(%dma_start3A_108 : memref<200x16xf32, #tpu.memory_space<hbm>>) target_semaphore(%dma_start3A_106 : memref<!tpu.dma_semaphore, #tpu.memory_space<semaphore_mem>>)
    %dma_wait3A_109 = arith.constant 0 : i32
    %dma_wait3A_110 = arith.constant 0 : i32
    %dma_wait3A_111 = arith.constant 0 : i32
    %dma_wait3A_112 = tpu.memref_slice %arg4[%mul3A_2, %dma_wait3A_111] : memref<320000x2xi32, #tpu.memory_space<hbm>> -> memref<200x2xi32, #tpu.memory_space<hbm>>
    %dma_wait3A_113 = tpu.memref_slice %arg11[%dma_wait3A_109, %dma_wait3A_110] : memref<2x2x!tpu.dma_semaphore, #tpu.memory_space<semaphore_mem>> -> memref<1x1x!tpu.dma_semaphore, #tpu.memory_space<semaphore_mem>>
    %dma_wait3A_114 = tpu.memref_squeeze %dma_wait3A_113 : memref<1x1x!tpu.dma_semaphore, #tpu.memory_space<semaphore_mem>> -> memref<!tpu.dma_semaphore, #tpu.memory_space<semaphore_mem>>
    %dma_wait3A_115 = arith.constant 0 : i32
    %dma_wait3A_116 = tpu.memref_slice %arg4[%mul3A_2, %dma_wait3A_115] : memref<320000x2xi32, #tpu.memory_space<hbm>> -> memref<200x2xi32, #tpu.memory_space<hbm>>
    tpu.wait_dma2 semaphore(%dma_wait3A_114 : memref<!tpu.dma_semaphore, #tpu.memory_space<semaphore_mem>>) src(%arg6 : memref<200x2xi32, #tpu.memory_space<vmem>>) dst(%dma_wait3A_116 : memref<200x2xi32, #tpu.memory_space<hbm>>)
    %dma_wait3A_117 = arith.constant 0 : i32
    %dma_wait3A_118 = arith.constant 1 : i32
    %dma_wait3A_119 = arith.constant 0 : i32
    %dma_wait3A_120 = tpu.memref_slice %arg5[%mul3A_2, %dma_wait3A_119] : memref<320000x16xf32, #tpu.memory_space<hbm>> -> memref<200x16xf32, #tpu.memory_space<hbm>>
    %dma_wait3A_121 = tpu.memref_slice %arg11[%dma_wait3A_117, %dma_wait3A_118] : memref<2x2x!tpu.dma_semaphore, #tpu.memory_space<semaphore_mem>> -> memref<1x1x!tpu.dma_semaphore, #tpu.memory_space<semaphore_mem>>
    %dma_wait3A_122 = tpu.memref_squeeze %dma_wait3A_121 : memref<1x1x!tpu.dma_semaphore, #tpu.memory_space<semaphore_mem>> -> memref<!tpu.dma_semaphore, #tpu.memory_space<semaphore_mem>>
    %dma_wait3A_123 = arith.constant 0 : i32
    %dma_wait3A_124 = tpu.memref_slice %arg5[%mul3A_2, %dma_wait3A_123] : memref<320000x16xf32, #tpu.memory_space<hbm>> -> memref<200x16xf32, #tpu.memory_space<hbm>>
    tpu.wait_dma2 semaphore(%dma_wait3A_122 : memref<!tpu.dma_semaphore, #tpu.memory_space<semaphore_mem>>) src(%arg8 : memref<200x16xf32, #tpu.memory_space<vmem>>) dst(%dma_wait3A_124 : memref<200x16xf32, #tpu.memory_space<hbm>>)
    %dma_wait3A_125 = arith.constant 1 : i32
    %dma_wait3A_126 = arith.constant 0 : i32
    %dma_wait3A_127 = arith.constant 0 : i32
    %dma_wait3A_128 = tpu.memref_slice %arg4[%mul3A_2, %dma_wait3A_127] : memref<320000x2xi32, #tpu.memory_space<hbm>> -> memref<200x2xi32, #tpu.memory_space<hbm>>
    %dma_wait3A_129 = tpu.memref_slice %arg11[%dma_wait3A_125, %dma_wait3A_126] : memref<2x2x!tpu.dma_semaphore, #tpu.memory_space<semaphore_mem>> -> memref<1x1x!tpu.dma_semaphore, #tpu.memory_space<semaphore_mem>>
    %dma_wait3A_130 = tpu.memref_squeeze %dma_wait3A_129 : memref<1x1x!tpu.dma_semaphore, #tpu.memory_space<semaphore_mem>> -> memref<!tpu.dma_semaphore, #tpu.memory_space<semaphore_mem>>
    %dma_wait3A_131 = arith.constant 0 : i32
    %dma_wait3A_132 = tpu.memref_slice %arg4[%mul3A_2, %dma_wait3A_131] : memref<320000x2xi32, #tpu.memory_space<hbm>> -> memref<200x2xi32, #tpu.memory_space<hbm>>
    tpu.wait_dma2 semaphore(%dma_wait3A_130 : memref<!tpu.dma_semaphore, #tpu.memory_space<semaphore_mem>>) src(%arg7 : memref<200x2xi32, #tpu.memory_space<vmem>>) dst(%dma_wait3A_132 : memref<200x2xi32, #tpu.memory_space<hbm>>)
    %dma_wait3A_133 = arith.constant 1 : i32
    %dma_wait3A_134 = arith.constant 1 : i32
    %dma_wait3A_135 = arith.constant 0 : i32
    %dma_wait3A_136 = tpu.memref_slice %arg5[%mul3A_2, %dma_wait3A_135] : memref<320000x16xf32, #tpu.memory_space<hbm>> -> memref<200x16xf32, #tpu.memory_space<hbm>>
    %dma_wait3A_137 = tpu.memref_slice %arg11[%dma_wait3A_133, %dma_wait3A_134] : memref<2x2x!tpu.dma_semaphore, #tpu.memory_space<semaphore_mem>> -> memref<1x1x!tpu.dma_semaphore, #tpu.memory_space<semaphore_mem>>
    %dma_wait3A_138 = tpu.memref_squeeze %dma_wait3A_137 : memref<1x1x!tpu.dma_semaphore, #tpu.memory_space<semaphore_mem>> -> memref<!tpu.dma_semaphore, #tpu.memory_space<semaphore_mem>>
    %dma_wait3A_139 = arith.constant 0 : i32
    %dma_wait3A_140 = tpu.memref_slice %arg5[%mul3A_2, %dma_wait3A_139] : memref<320000x16xf32, #tpu.memory_space<hbm>> -> memref<200x16xf32, #tpu.memory_space<hbm>>
    tpu.wait_dma2 semaphore(%dma_wait3A_138 : memref<!tpu.dma_semaphore, #tpu.memory_space<semaphore_mem>>) src(%arg9 : memref<200x16xf32, #tpu.memory_space<vmem>>) dst(%dma_wait3A_140 : memref<200x16xf32, #tpu.memory_space<hbm>>)
    return
  }
}

module attributes {stable_mosaic.version = 14 : i64} {
  func.func @_feats_body(%arg0: i32, %arg1: memref<2000x128xf32, #tpu.memory_space<vmem>>, %arg2: memref<2000x128xf32, #tpu.memory_space<vmem>>) attributes {dimension_semantics = [#tpu.dimension_semantics<arbitrary>], iteration_bounds = array<i64: 5>, scalar_prefetch = 0 : i64, scratch_operands = 0 : i64, tpu.core_type = #tpu.core_type<tc>, window_params = [{transform_indices = @transform_0, window_bounds = array<i64: 2000, 128>}, {transform_indices = @transform_1, window_bounds = array<i64: 2000, 128>}]} {
    %get3A = arith.constant 0 : index
    %get3A_0 = arith.constant 0 : index
    %get3A_1 = vector.load %arg1[%get3A, %get3A_0] : memref<2000x128xf32, #tpu.memory_space<vmem>>, vector<2000x128xf32>
    %swap3A = arith.constant 0 : index
    %swap3A_2 = arith.constant 0 : index
    %swap3A_3 = vector.load %arg2[%swap3A, %swap3A_2] : memref<2000x128xf32, #tpu.memory_space<vmem>>, vector<2000x128xf32>
    tpu.vector_store %arg2[%swap3A, %swap3A_2], %get3A_1 {strides = array<i32>} : memref<2000x128xf32, #tpu.memory_space<vmem>>, vector<2000x128xf32>,
    return
  }
  func.func @transform_0(%arg0: i32) -> (i32, i32) {
    %c0_i32 = arith.constant 0 : i32
    %c0_i32_0 = arith.constant 0 : i32
    return %arg0, %c0_i32 : i32, i32
  }
  func.func @transform_1(%arg0: i32) -> (i32, i32) {
    %c0_i32 = arith.constant 0 : i32
    %c0_i32_0 = arith.constant 0 : i32
    return %arg0, %c0_i32 : i32, i32
  }
}

</mosaic_0001>

<sc_bundles>
// kernel: kernel.4.cloned.1.call-start
scs
__scs_entry_jumppad:
0x0: {  	(pc) =	sbr.rel $0x88, $3  }
0x1: {  	(tag) =	ssettag $0x0;
	lr =	simm.s32 $0x1  }
0x2: {  	[smem:$0x3F9E] =	sst lr;
	_ =	strace $0xD0000000  }
0x3: {  	_ = 	snop  }
0x4: {  	_ = 	snop  }
0x5: {  	_ = 	snop  }
0x6: {  	_ = 	snop  }
0x7: {  	_ = 	snop  }
__scs_overlays_trampoline_lowered:
0x8: {  	[smem:$0x3FAD] =	sst s0  }
0x9: {  	[smem:$0x3FAE] =	sst s1  }
0xa: {  	[smem:$0x3FAF] =	sst s2  }
0xb: {  	[smem:$0x3FB0] =	sst s3  }
0xc: {  	[smem:$0x3FB1] =	sst s4  }
0xd: {  	[smem:$0x3FB2] =	sst s5  }
0xe: {  	[smem:$0x3FB3] =	sst s6  }
0xf: {  	[smem:$0x3FB4] =	sst s7  }
0x10: {  	[smem:$0x3FB5] =	sst s8  }
0x11: {  	[smem:$0x3FB6] =	sst s9;
	s0 =	simm.s32 @!p0 $0x0  }
0x12: {  	s1 =	sld [smem:$0x3F9C];
	s0 =	simm.s32 @p0 $0x1  }
0x13: {  	[smem:$0x3FB7] =	sst s0;
	s0 =	simm.s32 @!p1 $0x0  }
0x14: {  	s2 =	sld [smem:$0x3F9B];
	s0 =	simm.s32 @p1 $0x1  }
0x15: {  	[smem:$0x3FB8] =	sst s0;
	s0 =	simm.s32 @!p2 $0x0  }
0x16: {  	s3 =	sld [smem:$0x3FDB];
	s0 =	simm.s32 @p2 $0x1  }
0x17: {  	s4 =	simm.s32 $0x1BF5;
	[smem:$0x3FBA] =	sst s0  }
0x18: {  	s0 =	sld [smem:$0x3F9D];
	_ =	swait.ge [sflag:s4], $0x0  }
0x19: {  	s7 =	sld [smem:$0x3F9E]  }
0x1a: {  	s8 =	sadd.s32 $0xFFFFE003, lr  }
0x1b: {  	s9 =	sadd.s32 $0xFFFFFEF7, lr;
	s5 =	simm.s32 $0xFFFFFFFF;
	p2 =	slt.u32 s8, $0xFFFFF086  }
0x1c: {  	p1 =	slt.u32 s9, $0xF7A;
	s5 =	simm.s32 @!p2 $0x0  }
0x1d: {  	s5 =	simm.s32 @p1 $0x1;
	p0 =	seq.s32 s7, s2  }
0x1e: {  	s7 =	smul.u32 @!p0 $0xF7A, s2;
	p2 =	seq.s32 @!p0 s5, $0x0  }
0x1f: {  	s9 =	smul.u32 $0xF7A, s1;
	s8 =	simm.s32 @!p0 $0x1BF5;
	p2 =	por !p2, p0  }
0x20: {  	[sflag:s8] =	ssyncset.s32 @!p0 $0xFFFFF086;
	s6 =	sadd.s32 @!p0 s3, s7;
	s7 =	simm.s32 @!p0 $0x108  }
0x21: {  	s3 =	sadd.s32 s3, s9;
	s6 =	sadd.s32 @!p0 $0x88, s6;
	s7 =	simm.s32 @p2 $0x1082  }
0x22: {  	[simem:s7], [sflag:s8] =	dma.local @!p0 [hbm:s6], $0xF7A  }
0x23: {  	s9 =	sor.u32 $0xD0000000, s2;
	s6 =	simm.s32 $0x108;
	_ =	swait.ge @!p0 [sflag:s8], $0x0  }
0x24: {  	s3 =	sadd.s32 $0x88, s3;
	s6 =	simm.s32 @!p1 $0x1082;
	[sflag:s4] =	ssyncset.s32 $0xFFFFF086  }
0x25: {  	[simem:s6], [sflag:s4] =	dma.local [hbm:s3], $0xF7A  }
0x26: {  	[smem:$0x3F9E] =	sst s1;
	(tag) =	ssettag s2;
	_ =	strace s9  }
0x27: {  	s1 =	sld [smem:$0x3FAE]  }
0x28: {  	s2 =	sld [smem:$0x3FAF]  }
0x29: {  	s4 =	sld [smem:$0x3FB1]  }
0x2a: {  	p0 =	seq.s32 s5, $0x0;
	s5 =	sld [smem:$0x3FB2]  }
0x2b: {  	s6 =	sld [smem:$0x3FB3]  }
0x2c: {  	s7 =	sld [smem:$0x3FB4]  }
0x2d: {  	s3 =	simm.s32 $0x108;
	s8 =	sld [smem:$0x3FB5]  }
0x2e: {  	s3 =	simm.s32 @!p0 $0x1082;
	s9 =	sld [smem:$0x3FB6]  }
0x2f: {  	lr =	sadd.s32 s0, s3;
	s0 =	sld [smem:$0x3FAD]  }
0x30: {  	s3 =	sld [smem:$0x3FB0]  }
0x31: {  	[smem:$0x3FB9] =	sst s10  }
0x32: {  	s10 =	sld [smem:$0x3FB7];
	_ =	sdelay $0x3  }
0x33: {  	p0 =	seq.s32 s10, $0x1;
	s10 =	sld [smem:$0x3FB9];
	_ =	sdelay $0x3  }
0x34: {  	[smem:$0x3FB9] =	sst s10  }
0x35: {  	s10 =	sld [smem:$0x3FB8];
	_ =	sdelay $0x3  }
0x36: {  	p1 =	seq.s32 s10, $0x1;
	s10 =	sld [smem:$0x3FB9];
	_ =	sdelay $0x3  }
0x37: {  	[smem:$0x3FB9] =	sst s10  }
0x38: {  	s10 =	sld [smem:$0x3FBA]  }
0x39: {  	_ = 	snop;
	(pc) =	sbr.ind lr, $3  }
0x3a: {  	_ = 	snop  }
0x3b: {  	_ = 	snop  }
0x3c: {  	p2 =	seq.s32 s10, $0x1;
	s10 =	sld [smem:$0x3FB9]  }
0x3d: {  	_ =	shalt  }
0x3e: {  	_ =	shalt  }
0x3f: {  	_ =	shalt  }
0x40: {  	_ =	shalt  }
0x41: {  	_ =	shalt  }
0x42: {  	_ =	shalt  }
0x43: {  	_ =	shalt  }
0x44: {  	_ =	shalt  }
0x45: {  	_ =	shalt  }
0x46: {  	_ =	shalt  }
0x47: {  	_ =	shalt  }
0x48: {  	_ =	shalt  }
0x49: {  	_ =	shalt  }
0x4a: {  	_ =	shalt  }
0x4b: {  	_ =	shalt  }
0x4c: {  	_ =	shalt  }
0x4d: {  	_ =	shalt  }
0x4e: {  	_ =	shalt  }
0x4f: {  	_ =	shalt  }
0x50: {  	_ =	shalt  }
0x51: {  	_ =	shalt  }
0x52: {  	_ =	shalt  }
0x53: {  	_ =	shalt  }
0x54: {  	_ =	shalt  }
0x55: {  	_ =	shalt  }
0x56: {  	_ =	shalt  }
0x57: {  	_ =	shalt  }
0x58: {  	_ =	shalt  }
0x59: {  	_ =	shalt  }
0x5a: {  	_ =	shalt  }
0x5b: {  	_ =	shalt  }
0x5c: {  	_ =	shalt  }
0x5d: {  	_ =	shalt  }
0x5e: {  	_ =	shalt  }
0x5f: {  	_ =	shalt  }
0x60: {  	_ =	shalt  }
0x61: {  	_ =	shalt  }
0x62: {  	_ =	shalt  }
0x63: {  	_ =	shalt  }
0x64: {  	_ =	shalt  }
0x65: {  	_ =	shalt  }
0x66: {  	_ =	shalt  }
0x67: {  	_ =	shalt  }
0x68: {  	_ =	shalt  }
0x69: {  	_ =	shalt  }
0x6a: {  	_ =	shalt  }
0x6b: {  	_ =	shalt  }
0x6c: {  	_ =	shalt  }
0x6d: {  	_ =	shalt  }
0x6e: {  	_ =	shalt  }
0x6f: {  	_ =	shalt  }
0x70: {  	_ =	shalt  }
0x71: {  	_ =	shalt  }
0x72: {  	_ =	shalt  }
0x73: {  	_ =	shalt  }
0x74: {  	_ =	shalt  }
0x75: {  	_ =	shalt  }
0x76: {  	_ =	shalt  }
0x77: {  	_ =	shalt  }
0x78: {  	_ =	shalt  }
0x79: {  	_ =	shalt  }
0x7a: {  	_ =	shalt  }
0x7b: {  	_ =	shalt  }
0x7c: {  	_ =	shalt  }
0x7d: {  	_ =	shalt  }
0x7e: {  	_ =	shalt  }
0x7f: {  	_ =	shalt  }
0x80: {  	_ =	shalt  }
0x81: {  	_ =	shalt  }
0x82: {  	_ =	shalt  }
0x83: {  	_ =	shalt  }
0x84: {  	_ =	shalt  }
0x85: {  	_ =	shalt  }
0x86: {  	_ =	shalt  }
0x87: {  	_ =	shalt  }
.Lfunc_end0:
.L_simem_size_0:
called_computation_lowered:
.L_overlay_start_0:
0x88: {  	s2 =	sld [smem:$0x3FD9]  }
0x89: {  	s3 =	sld [smem:$0x3FFE];
	_ =	sdelay $0x1  }
0x8a: {  	s1 =	srdreg.scid  }
0x8b: {  	s0 =	sand.u32 $0x1, s1  }
0x8c: {  	s16 =	sshll.u32 s0, $0xA;
	s2 =	sadd.s32 s3, s2  }
0x8d: {  	s2 =	sadd.s32 s2, s16  }
0x8e: {  	[smem:$0x3FC5] =	sst s2  }
0x8f: {  	_ = 	snop  }
0x90: {  	(tm) =	ssettm $0x1  }
0x91: {  	s17 =	sld [smem:$0x3FFB];
	_ =	sdelay $0x3  }
0x92: {  	_ =	strace s17  }
0x93: {  	s2 =	sld [smem:$0x3FFC];
	_ =	sdelay $0x3  }
0x94: {  	_ =	strace s2  }
0x95: {  	s2 =	sld [smem:$0x3FFD];
	_ =	sdelay $0x3  }
0x96: {  	_ =	strace s2  }
0x97: {  	_ =	strace $0x8FFFFFFF  }
0x98: {  	s18 =	sld [smem:$0x3FDB];
	_ =	sdelay $0x1  }
0x99: {  	s19 =	simm.s32 $_scs_section_size  }
0x9a: {  	s4 =	simm.s32 $_size__tile_overlayer_lowered;
	s5 =	simm.s32 $_tile_overlayer_lowered  }
0x9b: {  	s22 =	simm.s32 $0x1BFF;
	s21 =	sshll.u32 s5, $0x1;
	s2 =	sadd.s32 s19, s18  }
0x9c: {  	s6 =	simm.s32 $0x0;
	s20 =	sshll.u32 s4, $0x1;
	s4 =	sadd.s32 s21, s2  }
0x9d: {  	[timem:s6], [sflag:s22] =	dma.local [hbm:s4], s20  }
0x9e: {  	_ =	swait.ge [sflag:s22], s20  }
0x9f: {  	s3 =	ssub.s32 $0x0, s20;
	[sflag:s22] =	ssyncset.done $0x0  }
0xa0: {  	[sflag:s22] =	ssyncadd.s32 s3;
	_ =	sdelay $0x1  }
0xa1: {  	s23 =	simm.s32 $0x1B8B  }
0xa2: {  	_ =	swait.ge [sflag:s23], $0x1  }
0xa3: {  	[sflag:s23] =	ssyncset.done $0x0  }
0xa4: {  	s25 =	simm.s32 $0x1B8E;
	s24 =	sld [smem:$0x3FFE];
	[sflag:s23] =	ssyncadd.s32 $0xFFFFFFFF  }
0xa5: {  	s26 =	simm.s32 $execute0_lowered;
	[smem:$0x3FD2] =	sst s25  }
0xa6: {  	s4 =	sshll.u32 s26, $0x1;
	_ =	strace $0x80000046;
	[dreg:$0x1] =	wrdreg $0xFFFFFFFF  }
0xa7: {  	s28 =	simm.s32 $_size_execute0_lowered;
	s2 =	sadd.s32 s2, s4;
	[dreg:$0x0] =	wrdreg $0x0  }
0xa8: {  	s4 =	sshll.u32 s28, $0x1;
	[dreg:$0x2] =	wrdreg s2  }
0xa9: {  	[dreg:$0x3] =	wrdreg s4  }
0xaa: {  	[dreg:$0x4] =	wrdreg $0xC0  }
0xab: {  	_ =	task [dreg:s6], $0x5FFFF  }
0xac: {  	[dreg:$0x1] =	wrdreg $0xFFFFFFFF  }
0xad: {  	[dreg:$0x0] =	wrdreg $0x60  }
0xae: {  	[dreg:$0x2] =	wrdreg s24  }
0xaf: {  	[dreg:$0x3] =	wrdreg $0x9  }
0xb0: {  	_ =	task.clear_ibuf [dreg:s6], $0x4FFFF;
	_ =	strace $0x90000046  }
0xb1: {  	s29 =	simm.s32 $0x9;
	_ =	strace $0x80000048  }
0xb2: {  	_ =	swait.ge [sflag:s29], $0x1  }
0xb3: {  	[sflag:s29] =	ssyncadd.s32 $0xFFFFFFFF  }
0xb4: {  	_ =	strace $0x90000048  }
0xb5: {  	_ =	sfence  }
0xb6: {  	s30 =	sld [smem:$0x0];
	_ =	sdelay $0x2  }
0xb7: {  	s31 =	sshll.u32 s1, $0xD;
	s1 =	sshrl.u32 s1, $0x2  }
0xb8: {  	s3 =	sand.u32 $0x4000, s31;
	s1 =	sadd.s32 s1, s30  }
0xb9: {  	s0 =	sor.u32 s3, s0;
	s1 =	sshll.u32 s1, $0x11  }
0xba: {  	s0 =	sor.u32 s1, s0  }
0xbb: {  	s0 =	sadd.s32 $0x8F2B, s0  }
0xbc: {  	[sflag:s0] =	ssyncadd.remote.s32 $0x1  }
0xbd: {  	_ =	sfence.sel $0xFFFF  }
0xbe: {  	[dreg:$0x0] =	wrdreg $0xFFFFFFFF;
	(pc) =	sbr.abs _section_cstart, $3  }
0xbf: {  	[dreg:$0x1] =	wrdreg $0xFFFFFFFF  }
0xc0: {  	_ =	task.clear_ibuf [dreg:s6], $0x2FFFF;
	_ =	strace $0x9FFFFFFF  }
0xc1: {  	(tm) =	ssettm $0x7FFFFFFF  }
tec
execute0_lowered:
.L_overlay_start_1:
0x0: {  	(tag) =	ssettag $0x1  }
0x1: {  	s3 =	rddreg [dreg:$0x0];
	s2 =	simm.s32 $0x0  }
0x2: {  	s4 =	srdreg.scid;
	s1 =	stileid.u32;
	s19 =	simm.s32 $0x1  }
0x3: {  	s20 =	simm.s32 $0x2;
	s21 =	simm.s32 $0x3;
	s22 =	simm.s32 $0x4  }
0x4: {  	s23 =	simm.s32 $0x5;
	s24 =	simm.s32 $0x6;
	s25 =	simm.s32 $0x7  }
0x5: {  	s26 =	simm.s32 $0x8;
	[smem:$0x7FF] =	sst s2;
	s8 =	sand.u32 $0x1, s4  }
0x6: {  	s29 =	sshll.u32 s1, $0x1;
	s10 =	sadd.s32 $0xC00, s3;
	s13 =	sadd.s32 $0x4E2C00, s3  }
0x7: {  	s14 =	sadd.s32 $0xEA6C00, s3;
	s16 =	smul.u32 $0x4E200, s1;
	s4 =	sor.u32 s8, s29  }
0x8: {  	s28 =	simm.s32 $0x0;
	s15 =	sadd.s32 $0x9C4C00, s3;
	s5 =	smul.u32 $0x138800, s4  }
0x9: {  	_ =	strace $0x80000047;
	s6 =	ssub.s32 $0x2, s8;
	s4 =	smul.u32 $0x27100, s4  }
0xa: {  	s18 =	smul.u32 $0x27100, s8;
	s7 =	sshrl.u32 s6, $0x1;
	s31 =	sadd.s32 s16, s10  }
0xb: {  	s11 =	ssub.s32 s6, s7;
	s9 =	sshrl.u32 s5, $0x3;
	s3 =	sadd.s32 s10, s4  }
0xc: {  	s4 =	sadd.s32 s13, s4;
	s11 =	smax.u32 s11, $0x1;
	s30 =	sadd.s32 $0xC80, s9  }
0xd: {  	s12 =	sadd.s32 $0x25800, s9;
	s17 =	sadd.s32 $0x26480, s9;
	s5 =	sadd.s32 s10, s30  }
0xe: {  	s6 =	sadd.s32 s13, s30;
	s7 =	sadd.s32 s14, s12;
	s8 =	sadd.s32 s15, s12  }
0xf: {  	s9 =	sadd.s32 s14, s17;
	s10 =	sadd.s32 s15, s17;
	s12 =	sadd.s32 s18, s31  }
0x10: {  	s13 =	sadd.s32 s16, s13;
	s14 =	sadd.s32 s16, s14;
	s15 =	sadd.s32 s16, s15  }
0x11: {  	s16 =	simm.s32 $0xC800;
	s17 =	simm.s32 $0x6400;
	s13 =	sadd.s32 s18, s13  }
0x12: {  	s14 =	sadd.s32 s18, s14;
	s15 =	sadd.s32 s18, s15;
	s18 =	simm.s32 $0x12C00  }
.LBB2_1:
0x13: {  	[tilespmem:s2], [sflag:$0x1] =	stream.linear.gather [hbm4b:s3+s2], $0x6400, $0x38;
	[tilespmem:$0x19000] =	vst v63  }
0x14: {  	_ = 	snop  }
0x15: {  	[tilespmem:s16], [sflag:$0x2] =	stream.linear.gather [hbm4b:s4+s2], $0x6400, $0x38;
	[tilespmem:$0x19000] =	vst v63  }
0x16: {  	_ = 	snop  }
0x17: {  	[tilespmem:s17], [sflag:$0x3] =	stream.linear.gather [hbm4b:s5+s2], $0x6400, $0x38;
	[tilespmem:$0x19000] =	vst v63  }
0x18: {  	_ = 	snop  }
0x19: {  	[tilespmem:s18], [sflag:$0x4] =	stream.linear.gather [hbm4b:s6+s2], $0x6400, $0x38;
	[tilespmem:$0x19000] =	vst v63  }
0x1a: {  	_ =	swait.ge [sflag:s19], $0x6400  }
0x1b: {  	[sflag:s19] =	ssyncset.done $0x0  }
0x1c: {  	[sflag:s19] =	ssyncadd.s32 $0xFFFF9C00  }
0x1d: {  	_ =	swait.ge [sflag:s20], $0x6400  }
0x1e: {  	[sflag:s20] =	ssyncset.done $0x0  }
0x1f: {  	s29 =	sadd.s32 $0x0, s14;
	[sflag:s20] =	ssyncadd.s32 $0xFFFF9C00  }
0x20: {  	[hbm4b:s29+s2] =	stream.linear.scatter [tilespmem:s2], [sflag:$0x5], $0x6400, $0x38;
	[tilespmem:$0x19000] =	vst v63  }
0x21: {  	s30 =	sadd.s32 $0x0, s15  }
0x22: {  	[hbm4b:s30+s2] =	stream.linear.scatter [tilespmem:s16], [sflag:$0x6], $0x6400, $0x38;
	[tilespmem:$0x19000] =	vst v63  }
0x23: {  	_ =	swait.ge [sflag:s21], $0x6400  }
0x24: {  	[sflag:s21] =	ssyncset.done $0x0  }
0x25: {  	[sflag:s21] =	ssyncadd.s32 $0xFFFF9C00  }
0x26: {  	_ =	swait.ge [sflag:s22], $0x6400  }
0x27: {  	[sflag:s22] =	ssyncset.done $0x0  }
0x28: {  	s29 =	sadd.s32 $0xC80, s29;
	[sflag:s22] =	ssyncadd.s32 $0xFFFF9C00  }
0x29: {  	[hbm4b:s29+s2] =	stream.linear.scatter [tilespmem:s17], [sflag:$0x7], $0x6400, $0x38;
	[tilespmem:$0x19000] =	vst v63  }
0x2a: {  	s29 =	sadd.s32 $0xC80, s30  }
0x2b: {  	[hbm4b:s29+s2] =	stream.linear.scatter [tilespmem:s18], [sflag:$0x8], $0x6400, $0x38;
	[tilespmem:$0x19000] =	vst v63  }
0x2c: {  	_ =	swait.ge [sflag:s23], $0x6400  }
0x2d: {  	[sflag:s23] =	ssyncset.done $0x0  }
0x2e: {  	[sflag:s23] =	ssyncadd.s32 $0xFFFF9C00  }
0x2f: {  	_ =	swait.ge [sflag:s24], $0x6400  }
0x30: {  	s29 =	sadd.s32 $0x0, s12;
	[sflag:s24] =	ssyncset.done $0x0  }
0x31: {  	s31 =	sadd.s32 $0x0, s13;
	s30 =	sadd.s32 $0x1900, s29;
	[sflag:s24] =	ssyncadd.s32 $0xFFFF9C00  }
0x32: {  	[tilespmem:s2], [sflag:$0x1] =	stream.linear.gather [hbm4b:s30+s2], $0x6400, $0x38;
	[tilespmem:$0x19000] =	vst v63  }
0x33: {  	s30 =	sadd.s32 $0x1900, s31  }
0x34: {  	[tilespmem:s16], [sflag:$0x2] =	stream.linear.gather [hbm4b:s30+s2], $0x6400, $0x38;
	[tilespmem:$0x19000] =	vst v63  }
0x35: {  	_ =	swait.ge [sflag:s25], $0x6400  }
0x36: {  	[sflag:s25] =	ssyncset.done $0x0  }
0x37: {  	[sflag:s25] =	ssyncadd.s32 $0xFFFF9C00  }
0x38: {  	_ =	swait.ge [sflag:s26], $0x6400  }
0x39: {  	[sflag:s26] =	ssyncset.done $0x0  }
0x3a: {  	s29 =	sadd.s32 $0x2580, s29;
	[sflag:s26] =	ssyncadd.s32 $0xFFFF9C00  }
0x3b: {  	[tilespmem:s17], [sflag:$0x3] =	stream.linear.gather [hbm4b:s29+s2], $0x6400, $0x38;
	[tilespmem:$0x19000] =	vst v63  }
0x3c: {  	s30 =	sadd.s32 $0x2580, s31;
	s29 =	simm.s32 $0x1900  }
.LBB2_2:
0x3d: {  	[tilespmem:s18], [sflag:$0x4] =	stream.linear.gather [hbm4b:s30+s2], $0x6400, $0x38;
	[tilespmem:$0x19000] =	vst v63  }
0x3e: {  	s30 =	smov.u32 s29  }
0x3f: {  	p0 =	sne.s32 s29, $0x23F00;
	s29 =	sadd.s32 $0x1900, s29;
	_ =	swait.ge [sflag:s19], $0x6400  }
0x40: {  	[sflag:s19] =	ssyncset.done $0x0  }
0x41: {  	[sflag:s19] =	ssyncadd.s32 $0xFFFF9C00  }
0x42: {  	_ =	swait.ge [sflag:s20], $0x6400  }
0x43: {  	[sflag:s20] =	ssyncset.done $0x0  }
0x44: {  	s31 =	sadd.s32 s30, s14;
	[sflag:s20] =	ssyncadd.s32 $0xFFFF9C00  }
0x45: {  	[hbm4b:s31+s2] =	stream.linear.scatter [tilespmem:s2], [sflag:$0x5], $0x6400, $0x38;
	[tilespmem:$0x19000] =	vst v63  }
0x46: {  	s0 =	sadd.s32 s30, s15  }
0x47: {  	[hbm4b:s0+s2] =	stream.linear.scatter [tilespmem:s16], [sflag:$0x6], $0x6400, $0x38;
	[tilespmem:$0x19000] =	vst v63  }
0x48: {  	_ =	swait.ge [sflag:s21], $0x6400  }
0x49: {  	[sflag:s21] =	ssyncset.done $0x0  }
0x4a: {  	[sflag:s21] =	ssyncadd.s32 $0xFFFF9C00  }
0x4b: {  	_ =	swait.ge [sflag:s22], $0x6400  }
0x4c: {  	[sflag:s22] =	ssyncset.done $0x0  }
0x4d: {  	s31 =	sadd.s32 $0xC80, s31;
	[sflag:s22] =	ssyncadd.s32 $0xFFFF9C00  }
0x4e: {  	[hbm4b:s31+s2] =	stream.linear.scatter [tilespmem:s17], [sflag:$0x7], $0x6400, $0x38;
	[tilespmem:$0x19000] =	vst v63  }
0x4f: {  	s0 =	sadd.s32 $0xC80, s0  }
0x50: {  	[hbm4b:s0+s2] =	stream.linear.scatter [tilespmem:s18], [sflag:$0x8], $0x6400, $0x38;
	[tilespmem:$0x19000] =	vst v63  }
0x51: {  	_ =	swait.ge [sflag:s23], $0x6400  }
0x52: {  	[sflag:s23] =	ssyncset.done $0x0  }
0x53: {  	[sflag:s23] =	ssyncadd.s32 $0xFFFF9C00  }
0x54: {  	_ =	swait.ge [sflag:s24], $0x6400  }
0x55: {  	s0 =	sadd.s32 s30, s12;
	[sflag:s24] =	ssyncset.done $0x0  }
0x56: {  	s30 =	sadd.s32 s30, s13;
	s31 =	sadd.s32 $0x1900, s0;
	[sflag:s24] =	ssyncadd.s32 $0xFFFF9C00  }
0x57: {  	[tilespmem:s2], [sflag:$0x1] =	stream.linear.gather [hbm4b:s31+s2], $0x6400, $0x38;
	[tilespmem:$0x19000] =	vst v63  }
0x58: {  	s31 =	sadd.s32 $0x1900, s30  }
0x59: {  	[tilespmem:s16], [sflag:$0x2] =	stream.linear.gather [hbm4b:s31+s2], $0x6400, $0x38;
	[tilespmem:$0x19000] =	vst v63  }
0x5a: {  	_ =	swait.ge [sflag:s25], $0x6400  }
0x5b: {  	[sflag:s25] =	ssyncset.done $0x0  }
0x5c: {  	[sflag:s25] =	ssyncadd.s32 $0xFFFF9C00  }
.Ltmp0:
0x5d: {  	_ =	swait.ge [sflag:s26], $0x6400;
	(pc) =	sbr.rel @p0 .LBB2_2-.Ltmp0, $4  }
0x5e: {  	[sflag:s26] =	ssyncset.done $0x0  }
0x5f: {  	s0 =	sadd.s32 $0x2580, s0;
	[sflag:s26] =	ssyncadd.s32 $0xFFFF9C00  }
0x60: {  	[tilespmem:s17], [sflag:$0x3] =	stream.linear.gather [hbm4b:s0+s2], $0x6400, $0x38;
	[tilespmem:$0x19000] =	vst v63  }
0x61: {  	s30 =	sadd.s32 $0x2580, s30  }
0x62: {  	[tilespmem:s18], [sflag:$0x4] =	stream.linear.gather [hbm4b:s30+s2], $0x6400, $0x38;
	[tilespmem:$0x19000] =	vst v63  }
0x63: {  	_ =	swait.ge [sflag:s19], $0x6400  }
0x64: {  	[sflag:s19] =	ssyncset.done $0x0  }
0x65: {  	[sflag:s19] =	ssyncadd.s32 $0xFFFF9C00  }
0x66: {  	_ =	swait.ge [sflag:s20], $0x6400  }
0x67: {  	[sflag:s20] =	ssyncset.done $0x0  }
0x68: {  	[sflag:s20] =	ssyncadd.s32 $0xFFFF9C00  }
0x69: {  	[hbm4b:s7+s2] =	stream.linear.scatter [tilespmem:s2], [sflag:$0x5], $0x6400, $0x38;
	[tilespmem:$0x19000] =	vst v63  }
0x6a: {  	_ = 	snop  }
0x6b: {  	[hbm4b:s8+s2] =	stream.linear.scatter [tilespmem:s16], [sflag:$0x6], $0x6400, $0x38;
	[tilespmem:$0x19000] =	vst v63  }
0x6c: {  	_ =	swait.ge [sflag:s21], $0x6400  }
0x6d: {  	[sflag:s21] =	ssyncset.done $0x0  }
0x6e: {  	[sflag:s21] =	ssyncadd.s32 $0xFFFF9C00  }
0x6f: {  	_ =	swait.ge [sflag:s22], $0x6400  }
0x70: {  	[sflag:s22] =	ssyncset.done $0x0  }
0x71: {  	[sflag:s22] =	ssyncadd.s32 $0xFFFF9C00  }
0x72: {  	[hbm4b:s9+s2] =	stream.linear.scatter [tilespmem:s17], [sflag:$0x7], $0x6400, $0x38;
	[tilespmem:$0x19000] =	vst v63  }
0x73: {  	_ = 	snop  }
0x74: {  	[hbm4b:s10+s2] =	stream.linear.scatter [tilespmem:s18], [sflag:$0x8], $0x6400, $0x38;
	[tilespmem:$0x19000] =	vst v63  }
0x75: {  	_ =	swait.ge [sflag:s23], $0x6400  }
0x76: {  	[sflag:s23] =	ssyncset.done $0x0  }
0x77: {  	[sflag:s23] =	ssyncadd.s32 $0xFFFF9C00  }
0x78: {  	_ =	swait.ge [sflag:s24], $0x6400  }
0x79: {  	[sflag:s24] =	ssyncset.done $0x0  }
0x7a: {  	s28 =	sadd.s32 $0x1, s28;
	[sflag:s24] =	ssyncadd.s32 $0xFFFF9C00  }
0x7b: {  	p0 =	sne.s32 s28, s11;
	_ =	swait.ge [sflag:s25], $0x6400  }
.Ltmp1:
0x7c: {  	[sflag:s25] =	ssyncset.done $0x0;
	(pc) =	sbr.rel @p0 .LBB2_1-.Ltmp1, $4  }
0x7d: {  	[sflag:s25] =	ssyncadd.s32 $0xFFFF9C00  }
0x7e: {  	_ =	swait.ge [sflag:s26], $0x6400  }
0x7f: {  	[sflag:s26] =	ssyncset.done $0x0  }
0x80: {  	[sflag:s26] =	ssyncadd.s32 $0xFFFF9C00  }
0x81: {  	_ =	sfence.sel $0x180000  }
0x82: {  	[bflag:$0x0] =	sbarrier.arrive $0xFFFF  }
0x83: {  	_ =	strace $0x90000047  }
0x84: {  	[bflag:$0x2] =	sbarrier.arrive $0xFFFF  }
0x85: {  	p0 =	sne.s32 s1, $0x0;
	s0 =	rddreg [dreg:$0x1]  }
0x86: {  	s0 =	sadd.s32 @!p0 $0x100000, s0  }
0x87: {  	[sflag:s0] =	ssyncadd.tile.s32 @!p0 $0x1;
	_ =	shalt  }
.Lfunc_end2:
_tile_overlayer_lowered:
.L_overlay_start_2:
0x88: {  	(tag) =	ssettag $0x2  }
0x89: {  	s0 =	rddreg [dreg:$0x0];
	s2 =	stileid.u32  }
0x8a: {  	s1 =	rddreg [dreg:$0x1];
	p0 =	sne.s32 s2, $0x0  }
0x8b: {  	s3 =	rddreg [dreg:$0x2];
	[bflag:$0x3] =	sbarrier.arrive $0xFFFF;
	s2 =	simm.s32 @!p0 $0x1C09  }
0x8c: {  	[timem:s3], [sflag:s2] =	dma.local @!p0 [hbm:s0], s1  }
0x8d: {  	s0 =	simm.s32 @!p0 $0x9  }
0x8e: {  	_ =	swait.ge @!p0 [sflag:s0], s1  }
0x8f: {  	s1 =	ssub.s32 @!p0 $0x0, s1;
	[sflag:s0] =	ssyncset.done @!p0 $0x0  }
0x90: {  	[sflag:s0] =	ssyncadd.s32 @!p0 s1  }
0x91: {  	[bflag:$0x3] =	sbarrier.arrive $0xFFFF  }
0x92: {  	_ =	shalt  }

</sc_bundles>
